<compile_context>
chip_gen: v7x
topology: tpu7x:2x2x1
jax: 0.10.2.dev20260603
libtpu: 0.0.44.dev20260713+nightly
codegen_flags: <defaults>
</compile_context>

<pallas_src>
import functools

import jax
import jax.numpy as jnp
from jax import lax
from jax.experimental import pallas as pl
from jax.experimental.pallas import tpu as pltpu
from jax.experimental.pallas import tpu_sc as plsc

B = 1024
CTX = 5
EMBED = 32
HID = 128
OUT = 300000

TILE = 4096


def _gather_body(table_hbm, idx_hbm, out_hbm, idx_v, rows_v, sem):
    info = plsc.get_sparse_core_info()
    nc, ns = info.num_cores, info.num_subcores
    rows_per_worker = (B * CTX) // (nc * ns)
    half = rows_per_worker // 2
    wid = lax.axis_index("s") * nc + lax.axis_index("c")
    base = wid * rows_per_worker
    pltpu.sync_copy(idx_hbm.at[pl.ds(base, rows_per_worker)], idx_v)
    cp0 = pltpu.async_copy(
        table_hbm.at[idx_v.at[pl.ds(0, half)]], rows_v.at[pl.ds(0, half)], sem)
    cp1 = pltpu.async_copy(
        table_hbm.at[idx_v.at[pl.ds(half, half)]], rows_v.at[pl.ds(half, half)], sem)
    cp0.wait()
    cp1.wait()
    pltpu.sync_copy(rows_v, out_hbm.at[pl.ds(base, rows_per_worker)])


def _sc_gather(emb, idx):
    info = plsc.get_sparse_core_info()
    rows_per_worker = (B * CTX) // (info.num_cores * info.num_subcores)
    mesh = plsc.VectorSubcoreMesh(core_axis_name="c", subcore_axis_name="s")
    k = functools.partial(
        pl.kernel,
        mesh=mesh,
        out_type=jax.ShapeDtypeStruct((B * CTX, EMBED), jnp.float32),
        scratch_types=[
            pltpu.VMEM((rows_per_worker,), jnp.int32),
            pltpu.VMEM((rows_per_worker, EMBED), jnp.float32),
            pltpu.SemaphoreType.DMA,
        ],
        compiler_params=pltpu.CompilerParams(use_tc_tiling_on_sc=False),
    )(_gather_body)
    return k(emb, idx)


def _out_body(cv_ref, wh_ref, bh_ref, wot_ref, bo_ref, out_ref, hid_ref):
    @pl.when(pl.program_id(0) == 0)
    def _():
        h = jnp.dot(cv_ref[...], wh_ref[...],
                    preferred_element_type=jnp.float32,
                    precision=lax.Precision.DEFAULT)
        hid_ref[...] = jnp.maximum(h + bh_ref[...], 0.0)

    acc = lax.dot_general(
        wot_ref[...], hid_ref[...],
        dimension_numbers=(((1,), (1,)), ((), ())),
        preferred_element_type=jnp.float32,
        precision=lax.Precision.DEFAULT)
    out_ref[...] = acc + jnp.transpose(bo_ref[...])


def _tc_mlp(cv, W_h, b_h2, W_o, b_oc):
    outT = pl.pallas_call(
        _out_body,
        grid=(pl.cdiv(OUT, TILE),),
        in_specs=[
            pl.BlockSpec((B, EMBED * CTX), lambda j: (0, 0)),
            pl.BlockSpec((EMBED * CTX, HID), lambda j: (0, 0)),
            pl.BlockSpec((1, HID), lambda j: (0, 0)),
            pl.BlockSpec((TILE, HID), lambda j: (j, 0)),
            pl.BlockSpec((1, TILE), lambda j: (0, j)),
        ],
        out_specs=pl.BlockSpec((TILE, B), lambda j: (j, 0)),
        out_shape=jax.ShapeDtypeStruct((OUT, B), jnp.float32),
        scratch_shapes=[pltpu.VMEM((B, HID), jnp.float32)],
        compiler_params=pltpu.CompilerParams(
            dimension_semantics=("arbitrary",),
            vmem_limit_bytes=100 * 1024 * 1024),
    )(cv, W_h, b_h2, jnp.transpose(W_o), b_oc)
    return jnp.transpose(outT.reshape(3, OUT // 3, B), (2, 0, 1))


def kernel(context, emb, W_h, b_h, W_o, b_o):
    idx = context.reshape(-1).astype(jnp.int32)
    cv = _sc_gather(emb, idx).reshape(B, EMBED * CTX)
    return _tc_mlp(cv, W_h, b_h.reshape(1, HID), W_o, b_o.reshape(1, OUT))

# --- scband reference (transcript-rebuilt; emitter-appended) ---
"""Pipeline reference for scband-neural-lm1-32719060860958 (READ-ONLY COPY).

The authoritative reference and input builder live on the scoring server;
editing this copy changes nothing except your own understanding.
"""

import jax, jax.numpy as jnp
import numpy as np

VOCAB = 100000
EMBED_DIM = 32
HIDDEN_DIM = 128
BATCH = 1024
CTX = 5


def setup_inputs(seed: int = 0) -> dict:
    key = jax.random.key(seed)
    k1, k2, k3, k4, k5, k6 = jax.random.split(key, 6)
    context = jax.random.randint(k1, (BATCH, CTX), 0, VOCAB)
    emb = jax.random.normal(k2, (VOCAB, EMBED_DIM), dtype=jnp.float32) * 0.02
    W_h = jax.random.normal(k3, (EMBED_DIM * CTX, HIDDEN_DIM), dtype=jnp.float32) * 0.02
    b_h = jnp.zeros((HIDDEN_DIM,), dtype=jnp.float32)
    W_o = jax.random.normal(k4, (HIDDEN_DIM, VOCAB * 3), dtype=jnp.float32) * 0.02
    b_o = jnp.zeros((VOCAB * 3,), dtype=jnp.float32)
    return {"context": context, "emb": emb, "W_h": W_h, "b_h": b_h, "W_o": W_o, "b_o": b_o}


def reference(context, emb, W_h, b_h, W_o, b_o):
    # embedding lookup: (B, CTX) -> (B, CTX, EMBED_DIM)
    embedded = jnp.take(emb, context, axis=0)
    # flatten context window
    context_vector = embedded.reshape(embedded.shape[0], -1)
    hidden_output = jax.nn.relu(context_vector @ W_h + b_h)
    output = hidden_output @ W_o + b_o
    return output.reshape(output.shape[0], 3, -1)

if __name__ == "__main__":
    import jax
    _d = setup_inputs()
    print(jax.jit(kernel)(*tuple(_d.values())))

</pallas_src>

<mosaic_0001>
#map = affine_map<(d0, d1) -> (0, 0)>
#map1 = affine_map<(d0, d1) -> (0)>
module attributes {stable_mosaic.version = 14 : i64} {
  func.func @_gather_body(%arg0: i32, %arg1: i32, %arg2: memref<100000x32xf32, #tpu.memory_space<hbm>>, %arg3: memref<5120xi32, #tpu.memory_space<hbm>>, %arg4: memref<5120x32xf32, #tpu.memory_space<hbm>>, %arg5: memref<160xi32, #tpu.memory_space<vmem>>, %arg6: memref<160x32xf32, #tpu.memory_space<vmem>>, %arg7: memref<!tpu.dma_semaphore, #tpu.memory_space<semaphore_mem>>) attributes {dimension_semantics = [#tpu.dimension_semantics<core_parallel>, #tpu.dimension_semantics<subcore_parallel>], iteration_bounds = array<i64: 2, 16>, scalar_prefetch = 0 : i64, scratch_operands = 3 : i64, tpu.core_type = #tpu.core_type<sc_vector_subcore>, window_params = [{transform_indices = #map}, {transform_indices = #map1}, {transform_indices = #map}]} {
    %mul3A = arith.constant 2 : i32
    %mul3A_0 = arith.muli %arg1, %mul3A : i32
    %add3A = arith.addi %mul3A_0, %arg0 : i32
    %mul3A_1 = arith.constant 160 : i32
    %mul3A_2 = arith.muli %add3A, %mul3A_1 : i32
    "tpu.region"() ({
      %run_scoped3A = tpu.sem_alloc : memref<!tpu.dma_semaphore, #tpu.memory_space<semaphore_mem>>
      %dma_start3A_33 = tpu.memref_slice %arg3[%mul3A_2] : memref<5120xi32, #tpu.memory_space<hbm>> -> memref<160xi32, #tpu.memory_space<hbm>>
      %dma_start3A_34 = tpu.memref_slice %arg3[%mul3A_2] : memref<5120xi32, #tpu.memory_space<hbm>> -> memref<160xi32, #tpu.memory_space<hbm>>
      tpu.enqueue_dma source(%dma_start3A_34 : memref<160xi32, #tpu.memory_space<hbm>>) target(%arg5 : memref<160xi32, #tpu.memory_space<vmem>>) target_semaphore(%run_scoped3A : memref<!tpu.dma_semaphore, #tpu.memory_space<semaphore_mem>>)
      %dma_wait3A_35 = tpu.memref_slice %arg3[%mul3A_2] : memref<5120xi32, #tpu.memory_space<hbm>> -> memref<160xi32, #tpu.memory_space<hbm>>
      %dma_wait3A_36 = tpu.memref_slice %arg3[%mul3A_2] : memref<5120xi32, #tpu.memory_space<hbm>> -> memref<160xi32, #tpu.memory_space<hbm>>
      tpu.wait_dma2 semaphore(%run_scoped3A : memref<!tpu.dma_semaphore, #tpu.memory_space<semaphore_mem>>) src(%dma_wait3A_36 : memref<160xi32, #tpu.memory_space<hbm>>) dst(%arg5 : memref<160xi32, #tpu.memory_space<vmem>>)
      tpu.yield
    }) : () -> ()
    %dma_start3A = arith.constant 0 : i32
    %dma_start3A_3 = arith.constant 0 : i32
    %dma_start3A_4 = tpu.memref_slice %arg6[%dma_start3A, %dma_start3A_3] : memref<160x32xf32, #tpu.memory_space<vmem>> -> memref<80x32xf32, #tpu.memory_space<vmem>>
    %dma_start3A_5 = arith.constant 0 : i32
    %dma_start3A_6 = tpu.memref_slice %arg5[%dma_start3A_5] : memref<160xi32, #tpu.memory_space<vmem>> -> memref<80xi32, #tpu.memory_space<vmem>>
    %dma_start3A_7 = arith.constant 0 : i32
    %dma_start3A_8 = arith.constant 0 : i32
    %dma_start3A_9 = tpu.memref_slice %arg2[%dma_start3A_7, %dma_start3A_8] : memref<100000x32xf32, #tpu.memory_space<hbm>> -> memref<100000x32xf32, #tpu.memory_space<hbm>>
    tpu.enqueue_indirect_dma source(%dma_start3A_9 : memref<100000x32xf32, #tpu.memory_space<hbm>>) target(%dma_start3A_4 : memref<80x32xf32, #tpu.memory_space<vmem>>) offsets(%dma_start3A_6 : memref<80xi32, #tpu.memory_space<vmem>>) semaphore(%arg7 : memref<!tpu.dma_semaphore, #tpu.memory_space<semaphore_mem>>)
    %dma_start3A_10 = arith.constant 80 : i32
    %dma_start3A_11 = arith.constant 0 : i32
    %dma_start3A_12 = tpu.memref_slice %arg6[%dma_start3A_10, %dma_start3A_11] : memref<160x32xf32, #tpu.memory_space<vmem>> -> memref<80x32xf32, #tpu.memory_space<vmem>>
    %dma_start3A_13 = arith.constant 80 : i32
    %dma_start3A_14 = tpu.memref_slice %arg5[%dma_start3A_13] : memref<160xi32, #tpu.memory_space<vmem>> -> memref<80xi32, #tpu.memory_space<vmem>>
    %dma_start3A_15 = arith.constant 0 : i32
    %dma_start3A_16 = arith.constant 0 : i32
    %dma_start3A_17 = tpu.memref_slice %arg2[%dma_start3A_15, %dma_start3A_16] : memref<100000x32xf32, #tpu.memory_space<hbm>> -> memref<100000x32xf32, #tpu.memory_space<hbm>>
    tpu.enqueue_indirect_dma source(%dma_start3A_17 : memref<100000x32xf32, #tpu.memory_space<hbm>>) target(%dma_start3A_12 : memref<80x32xf32, #tpu.memory_space<vmem>>) offsets(%dma_start3A_14 : memref<80xi32, #tpu.memory_space<vmem>>) semaphore(%arg7 : memref<!tpu.dma_semaphore, #tpu.memory_space<semaphore_mem>>)
    %dma_wait3A = arith.constant 0 : i32
    %dma_wait3A_18 = arith.constant 0 : i32
    %dma_wait3A_19 = tpu.memref_slice %arg6[%dma_wait3A, %dma_wait3A_18] : memref<160x32xf32, #tpu.memory_space<vmem>> -> memref<80x32xf32, #tpu.memory_space<vmem>>
    %dma_wait3A_20 = arith.constant 0 : i32
    %dma_wait3A_21 = tpu.memref_slice %arg5[%dma_wait3A_20] : memref<160xi32, #tpu.memory_space<vmem>> -> memref<80xi32, #tpu.memory_space<vmem>>
    %dma_wait3A_22 = arith.constant 0 : i32
    %dma_wait3A_23 = arith.constant 0 : i32
    %dma_wait3A_24 = tpu.memref_slice %arg2[%dma_wait3A_22, %dma_wait3A_23] : memref<100000x32xf32, #tpu.memory_space<hbm>> -> memref<100000x32xf32, #tpu.memory_space<hbm>>
    tpu.wait_indirect_dma semaphore(%arg7 : memref<!tpu.dma_semaphore, #tpu.memory_space<semaphore_mem>>) src(%dma_wait3A_24 : memref<100000x32xf32, #tpu.memory_space<hbm>>) dst(%dma_wait3A_19 : memref<80x32xf32, #tpu.memory_space<vmem>>)
    %dma_wait3A_25 = arith.constant 80 : i32
    %dma_wait3A_26 = arith.constant 0 : i32
    %dma_wait3A_27 = tpu.memref_slice %arg6[%dma_wait3A_25, %dma_wait3A_26] : memref<160x32xf32, #tpu.memory_space<vmem>> -> memref<80x32xf32, #tpu.memory_space<vmem>>
    %dma_wait3A_28 = arith.constant 80 : i32
    %dma_wait3A_29 = tpu.memref_slice %arg5[%dma_wait3A_28] : memref<160xi32, #tpu.memory_space<vmem>> -> memref<80xi32, #tpu.memory_space<vmem>>
    %dma_wait3A_30 = arith.constant 0 : i32
    %dma_wait3A_31 = arith.constant 0 : i32
    %dma_wait3A_32 = tpu.memref_slice %arg2[%dma_wait3A_30, %dma_wait3A_31] : memref<100000x32xf32, #tpu.memory_space<hbm>> -> memref<100000x32xf32, #tpu.memory_space<hbm>>
    tpu.wait_indirect_dma semaphore(%arg7 : memref<!tpu.dma_semaphore, #tpu.memory_space<semaphore_mem>>) src(%dma_wait3A_32 : memref<100000x32xf32, #tpu.memory_space<hbm>>) dst(%dma_wait3A_27 : memref<80x32xf32, #tpu.memory_space<vmem>>)
    "tpu.region"() ({
      %run_scoped3A = tpu.sem_alloc : memref<!tpu.dma_semaphore, #tpu.memory_space<semaphore_mem>>
      %dma_start3A_33 = arith.constant 0 : i32
      %dma_start3A_34 = tpu.memref_slice %arg4[%mul3A_2, %dma_start3A_33] : memref<5120x32xf32, #tpu.memory_space<hbm>> -> memref<160x32xf32, #tpu.memory_space<hbm>>
      %dma_start3A_35 = arith.constant 0 : i32
      %dma_start3A_36 = tpu.memref_slice %arg4[%mul3A_2, %dma_start3A_35] : memref<5120x32xf32, #tpu.memory_space<hbm>> -> memref<160x32xf32, #tpu.memory_space<hbm>>
      tpu.enqueue_dma source(%arg6 : memref<160x32xf32, #tpu.memory_space<vmem>>) target(%dma_start3A_36 : memref<160x32xf32, #tpu.memory_space<hbm>>) target_semaphore(%run_scoped3A : memref<!tpu.dma_semaphore, #tpu.memory_space<semaphore_mem>>)
      %dma_wait3A_37 = arith.constant 0 : i32
      %dma_wait3A_38 = tpu.memref_slice %arg4[%mul3A_2, %dma_wait3A_37] : memref<5120x32xf32, #tpu.memory_space<hbm>> -> memref<160x32xf32, #tpu.memory_space<hbm>>
      %dma_wait3A_39 = arith.constant 0 : i32
      %dma_wait3A_40 = tpu.memref_slice %arg4[%mul3A_2, %dma_wait3A_39] : memref<5120x32xf32, #tpu.memory_space<hbm>> -> memref<160x32xf32, #tpu.memory_space<hbm>>
      tpu.wait_dma2 semaphore(%run_scoped3A : memref<!tpu.dma_semaphore, #tpu.memory_space<semaphore_mem>>) src(%arg6 : memref<160x32xf32, #tpu.memory_space<vmem>>) dst(%dma_wait3A_40 : memref<160x32xf32, #tpu.memory_space<hbm>>)
      tpu.yield
    }) : () -> ()
    return
  }
}

module attributes {stable_mosaic.version = 14 : i64} {
  func.func @_out_body(%arg0: i32, %arg1: memref<1024x160xf32, #tpu.memory_space<vmem>>, %arg2: memref<160x128xf32, #tpu.memory_space<vmem>>, %arg3: memref<1x128xf32, #tpu.memory_space<vmem>>, %arg4: memref<4096x128xf32, #tpu.memory_space<vmem>>, %arg5: memref<1x4096xf32, #tpu.memory_space<vmem>>, %arg6: memref<4096x1024xf32, #tpu.memory_space<vmem>>, %arg7: memref<1024x128xf32, #tpu.memory_space<vmem>>) attributes {dimension_semantics = [#tpu.dimension_semantics<arbitrary>], iteration_bounds = array<i64: 74>, scalar_prefetch = 0 : i64, scratch_operands = 1 : i64, tpu.core_type = #tpu.core_type<tc>, window_params = [{pipeline_mode = #tpu.pipeline_mode<synchronous>, transform_indices = @transform_0, window_bounds = array<i64: 1024, 160>}, {pipeline_mode = #tpu.pipeline_mode<synchronous>, transform_indices = @transform_1, window_bounds = array<i64: 160, 128>}, {pipeline_mode = #tpu.pipeline_mode<synchronous>, transform_indices = @transform_2, window_bounds = array<i64: 1, 128>}, {transform_indices = @transform_3, window_bounds = array<i64: 4096, 128>}, {transform_indices = @transform_4, window_bounds = array<i64: 1, 4096>}, {transform_indices = @transform_5, window_bounds = array<i64: 4096, 1024>}]} {
    %eq3A = arith.constant 0 : i32
    %eq3A_0 = arith.cmpi eq, %arg0, %eq3A : i32
    %convert_element_type3A = arith.extui %eq3A_0 : i1 to i32
    %cond3A = arith.constant 0 : i32
    %cond3A_1 = arith.cmpi ne, %convert_element_type3A, %cond3A : i32
    scf.if %cond3A_1 {
      %get3A_14 = arith.constant 0 : index
      %get3A_15 = arith.constant 0 : index
      %get3A_16 = vector.load %arg1[%get3A_14, %get3A_15] : memref<1024x160xf32, #tpu.memory_space<vmem>>, vector<1024x160xf32>
      %get3A_17 = arith.constant 0 : index
      %get3A_18 = arith.constant 0 : index
      %get3A_19 = vector.load %arg2[%get3A_17, %get3A_18] : memref<160x128xf32, #tpu.memory_space<vmem>>, vector<160x128xf32>
      %dot_general3A_20 = arith.constant dense<0.000000e+00> : vector<1024x128xf32>
      %dot_general3A_21 = tpu.matmul %get3A_16, %get3A_19, %dot_general3A_20 {dimension_numbers = #tpu.dot_dimension_numbers<[1], [0], [0], [1], [0, 0, 1, 1], [], []>, transpose_lhs_hint = false} : vector<1024x160xf32>, vector<160x128xf32>, vector<1024x128xf32> -> vector<1024x128xf32>
      %get3A_22 = arith.constant 0 : index
      %get3A_23 = arith.constant 0 : index
      %get3A_24 = vector.load %arg3[%get3A_22, %get3A_23] : memref<1x128xf32, #tpu.memory_space<vmem>>, vector<1x128xf32>
      %add3A_25 = vector.broadcast %get3A_24 : vector<1x128xf32> to vector<1024x128xf32>
      %add3A_26 = arith.addf %dot_general3A_21, %add3A_25 : vector<1024x128xf32>
      %max3A = arith.constant 0.000000e+00 : f32
      %max3A_27 = vector.broadcast %max3A : f32 to vector<1024x128xf32>
      %max3A_28 = arith.maximumf %add3A_26, %max3A_27 : vector<1024x128xf32>
      %swap3A_29 = arith.constant 0 : index
      %swap3A_30 = arith.constant 0 : index
      %swap3A_31 = vector.load %arg7[%swap3A_29, %swap3A_30] : memref<1024x128xf32, #tpu.memory_space<vmem>>, vector<1024x128xf32>
      tpu.vector_store %arg7[%swap3A_29, %swap3A_30], %max3A_28 {strides = array<i32>} : memref<1024x128xf32, #tpu.memory_space<vmem>>, vector<1024x128xf32>,
    } else {
    }
    %get3A = arith.constant 0 : index
    %get3A_2 = arith.constant 0 : index
    %get3A_3 = vector.load %arg4[%get3A, %get3A_2] : memref<4096x128xf32, #tpu.memory_space<vmem>>, vector<4096x128xf32>
    %get3A_4 = arith.constant 0 : index
    %get3A_5 = arith.constant 0 : index
    %get3A_6 = vector.load %arg7[%get3A_4, %get3A_5] : memref<1024x128xf32, #tpu.memory_space<vmem>>, vector<1024x128xf32>
    %dot_general3A = arith.constant dense<0.000000e+00> : vector<4096x1024xf32>
    %dot_general3A_7 = tpu.matmul %get3A_3, %get3A_6, %dot_general3A {dimension_numbers = #tpu.dot_dimension_numbers<[1], [1], [0], [0], [0, 0, 1, 0], [], []>, transpose_lhs_hint = false} : vector<4096x128xf32>, vector<1024x128xf32>, vector<4096x1024xf32> -> vector<4096x1024xf32>
    %get3A_8 = arith.constant 0 : index
    %get3A_9 = arith.constant 0 : index
    %get3A_10 = vector.load %arg5[%get3A_8, %get3A_9] : memref<1x4096xf32, #tpu.memory_space<vmem>>, vector<1x4096xf32>
    %transpose3A = tpu.transpose %get3A_10, [1, 0] : vector<1x4096xf32> -> vector<4096x1xf32>
    %add3A = vector.broadcast %transpose3A : vector<4096x1xf32> to vector<4096x1024xf32>
    %add3A_11 = arith.addf %dot_general3A_7, %add3A : vector<4096x1024xf32>
    %swap3A = arith.constant 0 : index
    %swap3A_12 = arith.constant 0 : index
    %swap3A_13 = vector.load %arg6[%swap3A, %swap3A_12] : memref<4096x1024xf32, #tpu.memory_space<vmem>>, vector<4096x1024xf32>
    tpu.vector_store %arg6[%swap3A, %swap3A_12], %add3A_11 {strides = array<i32>} : memref<4096x1024xf32, #tpu.memory_space<vmem>>, vector<4096x1024xf32>,
    return
  }
  func.func @transform_0(%arg0: i32) -> (i32, i32) {
    %c0_i32 = arith.constant 0 : i32
    %c0_i32_0 = arith.constant 0 : i32
    %c0_i32_1 = arith.constant 0 : i32
    return %c0_i32, %c0_i32_0 : i32, i32
  }
  func.func @transform_1(%arg0: i32) -> (i32, i32) {
    %c0_i32 = arith.constant 0 : i32
    %c0_i32_0 = arith.constant 0 : i32
    %c0_i32_1 = arith.constant 0 : i32
    return %c0_i32, %c0_i32_0 : i32, i32
  }
  func.func @transform_2(%arg0: i32) -> (i32, i32) {
    %c0_i32 = arith.constant 0 : i32
    %c0_i32_0 = arith.constant 0 : i32
    %c0_i32_1 = arith.constant 0 : i32
    return %c0_i32, %c0_i32_0 : i32, i32
  }
  func.func @transform_3(%arg0: i32) -> (i32, i32) {
    %c0_i32 = arith.constant 0 : i32
    %c0_i32_0 = arith.constant 0 : i32
    return %arg0, %c0_i32 : i32, i32
  }
  func.func @transform_4(%arg0: i32) -> (i32, i32) {
    %c0_i32 = arith.constant 0 : i32
    %c0_i32_0 = arith.constant 0 : i32
    return %c0_i32, %arg0 : i32, i32
  }
  func.func @transform_5(%arg0: i32) -> (i32, i32) {
    %c0_i32 = arith.constant 0 : i32
    %c0_i32_0 = arith.constant 0 : i32
    return %arg0, %c0_i32 : i32, i32
  }
}

</mosaic_0001>

<sc_bundles>
// kernel: kernel.4.cloned.1.call-start
scs
__scs_entry_jumppad:
0x0: {  	(pc) =	sbr.rel $0x88, $3  }
0x1: {  	(tag) =	ssettag $0x0;
	lr =	simm.s32 $0x1  }
0x2: {  	[smem:$0x3F9B] =	sst lr;
	_ =	strace $0xD0000000  }
0x3: {  	_ = 	snop  }
0x4: {  	_ = 	snop  }
0x5: {  	_ = 	snop  }
0x6: {  	_ = 	snop  }
0x7: {  	_ = 	snop  }
__scs_overlays_trampoline_lowered:
0x8: {  	[smem:$0x3FAA] =	sst s0  }
0x9: {  	[smem:$0x3FAB] =	sst s1  }
0xa: {  	[smem:$0x3FAC] =	sst s2  }
0xb: {  	[smem:$0x3FAD] =	sst s3  }
0xc: {  	[smem:$0x3FAE] =	sst s4  }
0xd: {  	[smem:$0x3FAF] =	sst s5  }
0xe: {  	[smem:$0x3FB0] =	sst s6  }
0xf: {  	[smem:$0x3FB1] =	sst s7  }
0x10: {  	[smem:$0x3FB2] =	sst s8  }
0x11: {  	[smem:$0x3FB3] =	sst s9;
	s0 =	simm.s32 @!p0 $0x0  }
0x12: {  	s1 =	sld [smem:$0x3F99];
	s0 =	simm.s32 @p0 $0x1  }
0x13: {  	[smem:$0x3FB4] =	sst s0;
	s0 =	simm.s32 @!p1 $0x0  }
0x14: {  	s2 =	sld [smem:$0x3F98];
	s0 =	simm.s32 @p1 $0x1  }
0x15: {  	[smem:$0x3FB5] =	sst s0;
	s0 =	simm.s32 @!p2 $0x0  }
0x16: {  	s3 =	sld [smem:$0x3FDB];
	s0 =	simm.s32 @p2 $0x1  }
0x17: {  	s4 =	simm.s32 $0x1BF5;
	[smem:$0x3FB7] =	sst s0  }
0x18: {  	s0 =	sld [smem:$0x3F9A];
	_ =	swait.ge [sflag:s4], $0x0  }
0x19: {  	s7 =	sld [smem:$0x3F9B]  }
0x1a: {  	s8 =	sadd.s32 $0xFFFFE003, lr  }
0x1b: {  	s9 =	sadd.s32 $0xFFFFFEF7, lr;
	s5 =	simm.s32 $0xFFFFFFFF;
	p2 =	slt.u32 s8, $0xFFFFF086  }
0x1c: {  	p1 =	slt.u32 s9, $0xF7A;
	s5 =	simm.s32 @!p2 $0x0  }
0x1d: {  	s5 =	simm.s32 @p1 $0x1;
	p0 =	seq.s32 s7, s2  }
0x1e: {  	s7 =	smul.u32 @!p0 $0xF7A, s2;
	p2 =	seq.s32 @!p0 s5, $0x0  }
0x1f: {  	s9 =	smul.u32 $0xF7A, s1;
	s8 =	simm.s32 @!p0 $0x1BF5;
	p2 =	por !p2, p0  }
0x20: {  	[sflag:s8] =	ssyncset.s32 @!p0 $0xFFFFF086;
	s6 =	sadd.s32 @!p0 s3, s7;
	s7 =	simm.s32 @!p0 $0x108  }
0x21: {  	s3 =	sadd.s32 s3, s9;
	s6 =	sadd.s32 @!p0 $0x88, s6;
	s7 =	simm.s32 @p2 $0x1082  }
0x22: {  	[simem:s7], [sflag:s8] =	dma.local @!p0 [hbm:s6], $0xF7A  }
0x23: {  	s9 =	sor.u32 $0xD0000000, s2;
	s6 =	simm.s32 $0x108;
	_ =	swait.ge @!p0 [sflag:s8], $0x0  }
0x24: {  	s3 =	sadd.s32 $0x88, s3;
	s6 =	simm.s32 @!p1 $0x1082;
	[sflag:s4] =	ssyncset.s32 $0xFFFFF086  }
0x25: {  	[simem:s6], [sflag:s4] =	dma.local [hbm:s3], $0xF7A  }
0x26: {  	[smem:$0x3F9B] =	sst s1;
	(tag) =	ssettag s2;
	_ =	strace s9  }
0x27: {  	s1 =	sld [smem:$0x3FAB]  }
0x28: {  	s2 =	sld [smem:$0x3FAC]  }
0x29: {  	s4 =	sld [smem:$0x3FAE]  }
0x2a: {  	p0 =	seq.s32 s5, $0x0;
	s5 =	sld [smem:$0x3FAF]  }
0x2b: {  	s6 =	sld [smem:$0x3FB0]  }
0x2c: {  	s7 =	sld [smem:$0x3FB1]  }
0x2d: {  	s3 =	simm.s32 $0x108;
	s8 =	sld [smem:$0x3FB2]  }
0x2e: {  	s3 =	simm.s32 @!p0 $0x1082;
	s9 =	sld [smem:$0x3FB3]  }
0x2f: {  	lr =	sadd.s32 s0, s3;
	s0 =	sld [smem:$0x3FAA]  }
0x30: {  	s3 =	sld [smem:$0x3FAD]  }
0x31: {  	[smem:$0x3FB6] =	sst s10  }
0x32: {  	s10 =	sld [smem:$0x3FB4];
	_ =	sdelay $0x3  }
0x33: {  	p0 =	seq.s32 s10, $0x1;
	s10 =	sld [smem:$0x3FB6];
	_ =	sdelay $0x3  }
0x34: {  	[smem:$0x3FB6] =	sst s10  }
0x35: {  	s10 =	sld [smem:$0x3FB5];
	_ =	sdelay $0x3  }
0x36: {  	p1 =	seq.s32 s10, $0x1;
	s10 =	sld [smem:$0x3FB6];
	_ =	sdelay $0x3  }
0x37: {  	[smem:$0x3FB6] =	sst s10  }
0x38: {  	s10 =	sld [smem:$0x3FB7]  }
0x39: {  	_ = 	snop;
	(pc) =	sbr.ind lr, $3  }
0x3a: {  	_ = 	snop  }
0x3b: {  	_ = 	snop  }
0x3c: {  	p2 =	seq.s32 s10, $0x1;
	s10 =	sld [smem:$0x3FB6]  }
0x3d: {  	_ =	shalt  }
0x3e: {  	_ =	shalt  }
0x3f: {  	_ =	shalt  }
0x40: {  	_ =	shalt  }
0x41: {  	_ =	shalt  }
0x42: {  	_ =	shalt  }
0x43: {  	_ =	shalt  }
0x44: {  	_ =	shalt  }
0x45: {  	_ =	shalt  }
0x46: {  	_ =	shalt  }
0x47: {  	_ =	shalt  }
0x48: {  	_ =	shalt  }
0x49: {  	_ =	shalt  }
0x4a: {  	_ =	shalt  }
0x4b: {  	_ =	shalt  }
0x4c: {  	_ =	shalt  }
0x4d: {  	_ =	shalt  }
0x4e: {  	_ =	shalt  }
0x4f: {  	_ =	shalt  }
0x50: {  	_ =	shalt  }
0x51: {  	_ =	shalt  }
0x52: {  	_ =	shalt  }
0x53: {  	_ =	shalt  }
0x54: {  	_ =	shalt  }
0x55: {  	_ =	shalt  }
0x56: {  	_ =	shalt  }
0x57: {  	_ =	shalt  }
0x58: {  	_ =	shalt  }
0x59: {  	_ =	shalt  }
0x5a: {  	_ =	shalt  }
0x5b: {  	_ =	shalt  }
0x5c: {  	_ =	shalt  }
0x5d: {  	_ =	shalt  }
0x5e: {  	_ =	shalt  }
0x5f: {  	_ =	shalt  }
0x60: {  	_ =	shalt  }
0x61: {  	_ =	shalt  }
0x62: {  	_ =	shalt  }
0x63: {  	_ =	shalt  }
0x64: {  	_ =	shalt  }
0x65: {  	_ =	shalt  }
0x66: {  	_ =	shalt  }
0x67: {  	_ =	shalt  }
0x68: {  	_ =	shalt  }
0x69: {  	_ =	shalt  }
0x6a: {  	_ =	shalt  }
0x6b: {  	_ =	shalt  }
0x6c: {  	_ =	shalt  }
0x6d: {  	_ =	shalt  }
0x6e: {  	_ =	shalt  }
0x6f: {  	_ =	shalt  }
0x70: {  	_ =	shalt  }
0x71: {  	_ =	shalt  }
0x72: {  	_ =	shalt  }
0x73: {  	_ =	shalt  }
0x74: {  	_ =	shalt  }
0x75: {  	_ =	shalt  }
0x76: {  	_ =	shalt  }
0x77: {  	_ =	shalt  }
0x78: {  	_ =	shalt  }
0x79: {  	_ =	shalt  }
0x7a: {  	_ =	shalt  }
0x7b: {  	_ =	shalt  }
0x7c: {  	_ =	shalt  }
0x7d: {  	_ =	shalt  }
0x7e: {  	_ =	shalt  }
0x7f: {  	_ =	shalt  }
0x80: {  	_ =	shalt  }
0x81: {  	_ =	shalt  }
0x82: {  	_ =	shalt  }
0x83: {  	_ =	shalt  }
0x84: {  	_ =	shalt  }
0x85: {  	_ =	shalt  }
0x86: {  	_ =	shalt  }
0x87: {  	_ =	shalt  }
.Lfunc_end0:
.L_simem_size_0:
called_computation_lowered:
.L_overlay_start_0:
0x88: {  	s2 =	sld [smem:$0x3FD9]  }
0x89: {  	s3 =	sld [smem:$0x3FFE];
	_ =	sdelay $0x1  }
0x8a: {  	s1 =	srdreg.scid  }
0x8b: {  	s0 =	sand.u32 $0x1, s1  }
0x8c: {  	s17 =	sshll.u32 s0, $0xA;
	s2 =	sadd.s32 s3, s2  }
0x8d: {  	s2 =	sadd.s32 s2, s17  }
0x8e: {  	[smem:$0x3FC2] =	sst s2  }
0x8f: {  	_ = 	snop  }
0x90: {  	s2 =	sld [smem:$0x3FD0];
	(tm) =	ssettm $0x1  }
0x91: {  	s18 =	sld [smem:$0x3FFB];
	_ =	sdelay $0x3  }
0x92: {  	_ =	strace s18  }
0x93: {  	s3 =	sld [smem:$0x3FFC];
	_ =	sdelay $0x3  }
0x94: {  	_ =	strace s3  }
0x95: {  	s3 =	sld [smem:$0x3FFD];
	_ =	sdelay $0x3  }
0x96: {  	_ =	strace s3  }
0x97: {  	_ =	strace $0x8FFFFFFF  }
0x98: {  	s19 =	sld [smem:$0x3FDB];
	_ =	sdelay $0x1  }
0x99: {  	s4 =	simm.s32 $_scs_section_size  }
0x9a: {  	s5 =	simm.s32 $_size__tile_overlayer_lowered;
	s6 =	simm.s32 $_tile_overlayer_lowered  }
0x9b: {  	s22 =	simm.s32 $0x1BFF;
	s21 =	sshll.u32 s6, $0x1;
	s3 =	sadd.s32 s4, s19  }
0x9c: {  	s7 =	simm.s32 $0x0;
	s20 =	sshll.u32 s5, $0x1;
	s5 =	sadd.s32 s21, s3  }
0x9d: {  	[timem:s7], [sflag:s22] =	dma.local [hbm:s5], s20  }
0x9e: {  	_ =	swait.ge [sflag:s22], s20  }
0x9f: {  	s4 =	ssub.s32 $0x0, s20;
	[sflag:s22] =	ssyncset.done $0x0  }
0xa0: {  	[sflag:s22] =	ssyncadd.s32 s4;
	_ =	sdelay $0x1  }
0xa1: {  	s23 =	simm.s32 $0x1B8B  }
0xa2: {  	_ =	swait.ge [sflag:s23], $0x1  }
0xa3: {  	[sflag:s23] =	ssyncset.done $0x0  }
0xa4: {  	s25 =	simm.s32 $0x1B8E;
	s24 =	sld [smem:$0x3FFE];
	[sflag:s23] =	ssyncadd.s32 $0xFFFFFFFF  }
0xa5: {  	s26 =	simm.s32 $execute0_lowered;
	[smem:$0x3FD2] =	sst s25  }
0xa6: {  	s5 =	sshll.u32 s26, $0x1;
	_ =	strace $0x80000046;
	[dreg:$0x1] =	wrdreg $0xFFFFFFFF  }
0xa7: {  	s28 =	simm.s32 $_size_execute0_lowered;
	s3 =	sadd.s32 s3, s5;
	[dreg:$0x0] =	wrdreg $0x0  }
0xa8: {  	s5 =	sshll.u32 s28, $0x1;
	[dreg:$0x2] =	wrdreg s3  }
0xa9: {  	[dreg:$0x3] =	wrdreg s5  }
0xaa: {  	[dreg:$0x4] =	wrdreg $0xC0  }
0xab: {  	_ =	task [dreg:s7], $0x5FFFF  }
0xac: {  	[dreg:$0x1] =	wrdreg $0xFFFFFFFF  }
0xad: {  	[dreg:$0x0] =	wrdreg $0x60  }
0xae: {  	[dreg:$0x2] =	wrdreg s24  }
0xaf: {  	[dreg:$0x3] =	wrdreg s2  }
0xb0: {  	[dreg:$0x4] =	wrdreg $0x9  }
0xb1: {  	_ =	task.clear_ibuf [dreg:s7], $0x5FFFF;
	_ =	strace $0x90000046  }
0xb2: {  	s29 =	simm.s32 $0x9;
	_ =	strace $0x80000048  }
0xb3: {  	_ =	swait.ge [sflag:s29], $0x1  }
0xb4: {  	[sflag:s29] =	ssyncadd.s32 $0xFFFFFFFF  }
0xb5: {  	_ =	strace $0x90000048  }
0xb6: {  	_ =	sfence  }
0xb7: {  	s30 =	sld [smem:$0x0];
	_ =	sdelay $0x2  }
0xb8: {  	s31 =	sshll.u32 s1, $0xD;
	s1 =	sshrl.u32 s1, $0x2  }
0xb9: {  	s3 =	sand.u32 $0x4000, s31;
	s1 =	sadd.s32 s1, s30  }
0xba: {  	s0 =	sor.u32 s3, s0;
	s1 =	sshll.u32 s1, $0x11  }
0xbb: {  	s0 =	sor.u32 s1, s0  }
0xbc: {  	s0 =	sadd.s32 $0x8F2B, s0  }
0xbd: {  	[sflag:s0] =	ssyncadd.remote.s32 $0x1  }
0xbe: {  	_ =	sfence.sel $0xFFFF  }
0xbf: {  	[dreg:$0x0] =	wrdreg $0xFFFFFFFF;
	(pc) =	sbr.abs _section_cstart, $3  }
0xc0: {  	[dreg:$0x1] =	wrdreg $0xFFFFFFFF  }
0xc1: {  	_ =	task.clear_ibuf [dreg:s7], $0x2FFFF;
	_ =	strace $0x9FFFFFFF  }
0xc2: {  	(tm) =	ssettm $0x7FFFFFFF  }
0xc3: {  	_ =	shalt  }
tec
execute0_lowered:
.L_overlay_start_1:
0x0: {  	(tag) =	ssettag $0x1  }
0x1: {  	s1 =	srdreg.scid;
	s0 =	stileid.u32  }
0x2: {  	s10 =	sand.u32 $0x1, s1;
	s30 =	sshll.u32 s0, $0x1  }
0x3: {  	s5 =	rddreg [dreg:$0x0];
	s11 =	sor.u32 s10, s30  }
0x4: {  	s12 =	rddreg [dreg:$0x1];
	s3 =	smul.u32 $0x14, s11  }
0x5: {  	s2 =	simm.s32 $0x0;
	s1 =	rddreg [dreg:$0x2]  }
0x6: {  	[smem:$0x7FF] =	sst s2;
	s3 =	sadd.s32 s3, s5  }
0x7: {  	_ =	strace $0x80000047;
	s4 =	sadd.s32 $0x400, s3;
	s3 =	simm.s32 $0x2  }
0x8: {  	[tilespmem:s2], [sflag:$0x2] =	stream.linear.gather [hbm4b:s4+s2], $0xA0, $0x38;
	[tilespmem:$0x14A0] =	vst v63  }
0x9: {  	_ =	swait.ge [sflag:s3], $0xA0  }
0xa: {  	s6 =	simm.s32 $0x50;
	[sflag:s3] =	ssyncset.done $0x0  }
0xb: {  	s7 =	simm.s32 $0xA0;
	s5 =	sadd.s32 $0x800, s5;
	[sflag:s3] =	ssyncadd.s32 $0xFFFFFF60  }
0xc: {  	[tilespmem:s7], [sflag:$0x1] =	stream.indirect.gather [hbm4b:s5+s6], $0x20, s2, s6, $0xb8;
	[tilespmem:$0x14A0] =	vst v63  }
0xd: {  	s8 =	simm.s32 $0xAA0;
	s9 =	simm.s32 $0x1;
	s10 =	ssub.s32 $0x2, s10  }
0xe: {  	[tilespmem:s8], [sflag:$0x1] =	stream.indirect.gather [hbm4b:s5+s6], $0x20, s6, s6, $0xb8;
	[tilespmem:$0x14A0] =	vst v63  }
0xf: {  	s13 =	sshrl.u32 s10, $0x1;
	_ =	swait.ge [sflag:s9], $0xA00  }
0x10: {  	s13 =	ssub.s32 s10, s13;
	[sflag:s9] =	ssyncset.done $0x0  }
0x11: {  	s31 =	smax.u32 s13, $0x1;
	[sflag:s9] =	ssyncadd.s32 $0xFFFFF600  }
0x12: {  	s11 =	smul.u32 $0x280, s11;
	p0 =	sne.s32 s31, $0x1;
	_ =	swait.ge [sflag:s9], $0xA00  }
.Ltmp0:
0x13: {  	[sflag:s9] =	ssyncset.done $0x0;
	(pc) =	sbr.rel @!p0 .LBB2_2-.Ltmp0, $4  }
0x14: {  	s10 =	sadd.s32 s12, s11;
	[sflag:s9] =	ssyncadd.s32 $0xFFFFF600  }
0x15: {  	[hbm4b:s10+s2] =	stream.linear.scatter [tilespmem:s7], [sflag:$0x2], $0x1400, $0x38;
	[tilespmem:$0x14A0] =	vst v63  }
0x16: {  	_ =	swait.ge [sflag:s3], $0x1400  }
0x17: {  	s11 =	sadd.s32 $0xFFFFFFFF, s31;
	[sflag:s3] =	ssyncset.done $0x0  }
.LBB2_1:
0x18: {  	p0 =	sne.s32 s11, $0x1;
	s11 =	sadd.s32 $0xFFFFFFFF, s11;
	[sflag:s3] =	ssyncadd.s32 $0xFFFFEC00  }
0x19: {  	[tilespmem:s2], [sflag:$0x2] =	stream.linear.gather [hbm4b:s4+s2], $0xA0, $0x38;
	[tilespmem:$0x14A0] =	vst v63  }
0x1a: {  	_ =	swait.ge [sflag:s3], $0xA0  }
0x1b: {  	[sflag:s3] =	ssyncset.done $0x0  }
0x1c: {  	[sflag:s3] =	ssyncadd.s32 $0xFFFFFF60  }
0x1d: {  	[tilespmem:s7], [sflag:$0x1] =	stream.indirect.gather [hbm4b:s5+s6], $0x20, s2, s6, $0xb8;
	[tilespmem:$0x14A0] =	vst v63  }
0x1e: {  	_ = 	snop  }
0x1f: {  	[tilespmem:s8], [sflag:$0x1] =	stream.indirect.gather [hbm4b:s5+s6], $0x20, s6, s6, $0xb8;
	[tilespmem:$0x14A0] =	vst v63  }
0x20: {  	_ =	swait.ge [sflag:s9], $0xA00  }
0x21: {  	[sflag:s9] =	ssyncset.done $0x0  }
0x22: {  	[sflag:s9] =	ssyncadd.s32 $0xFFFFF600  }
0x23: {  	_ =	swait.ge [sflag:s9], $0xA00  }
.Ltmp1:
0x24: {  	[sflag:s9] =	ssyncset.done $0x0;
	(pc) =	sbr.rel @p0 .LBB2_1-.Ltmp1, $4  }
0x25: {  	[sflag:s9] =	ssyncadd.s32 $0xFFFFF600  }
0x26: {  	[hbm4b:s10+s2] =	stream.linear.scatter [tilespmem:s7], [sflag:$0x2], $0x1400, $0x38;
	[tilespmem:$0x14A0] =	vst v63  }
0x27: {  	_ =	swait.ge [sflag:s3], $0x1400  }
0x28: {  	[sflag:s3] =	ssyncset.done $0x0  }
.LBB2_2:
0x29: {  	[sflag:s3] =	ssyncadd.s32 $0xFFFFEC00  }
0x2a: {  	_ =	sfence.sel $0x180000  }
0x2b: {  	[bflag:$0x0] =	sbarrier.arrive $0xFFFF  }
0x2c: {  	p0 =	sne.s32 s0, $0x0;
	_ =	strace $0x90000047  }
0x2d: {  	s0 =	sadd.s32 @!p0 $0x100000, s1;
	[bflag:$0x2] =	sbarrier.arrive $0xFFFF  }
0x2e: {  	[sflag:s0] =	ssyncadd.tile.s32 @!p0 $0x1;
	_ =	shalt  }
.Lfunc_end2:
_tile_overlayer_lowered:
.L_overlay_start_2:
0x2f: {  	(tag) =	ssettag $0x2  }
0x30: {  	s0 =	rddreg [dreg:$0x0];
	s2 =	stileid.u32  }
0x31: {  	s1 =	rddreg [dreg:$0x1];
	p0 =	sne.s32 s2, $0x0  }
0x32: {  	s3 =	rddreg [dreg:$0x2];
	[bflag:$0x3] =	sbarrier.arrive $0xFFFF;
	s2 =	simm.s32 @!p0 $0x1C02  }
0x33: {  	[timem:s3], [sflag:s2] =	dma.local @!p0 [hbm:s0], s1  }
0x34: {  	s0 =	simm.s32 @!p0 $0x2  }
0x35: {  	_ =	swait.ge @!p0 [sflag:s0], s1  }
0x36: {  	s1 =	ssub.s32 @!p0 $0x0, s1;
	[sflag:s0] =	ssyncset.done @!p0 $0x0  }
0x37: {  	[sflag:s0] =	ssyncadd.s32 @!p0 s1  }
0x38: {  	[bflag:$0x3] =	sbarrier.arrive $0xFFFF  }
0x39: {  	_ =	shalt  }

</sc_bundles>
